<compile_context>
chip_gen: v7x
topology: tpu7x:2x2x1
jax: 0.10.2.dev20260603
libtpu: 0.0.44.dev20260713+nightly
codegen_flags: <defaults>
</compile_context>

<pallas_src>
import functools

import jax
import jax.numpy as jnp
from jax import lax
from jax.experimental import pallas as pl
from jax.experimental.pallas import tpu as pltpu
from jax.experimental.pallas import tpu_sc as plsc

BATCH = 16384
EMB = 32
L = 16

_info = plsc.get_sparse_core_info()
NC = _info.num_cores
NS = _info.num_subcores
NW = NC * NS
BPW = BATCH // NW

TC_BLK = 65536


def _col_dots(user_t, item_t, w_row, bias):
    nu = user_t.shape[1]
    ni = item_t.shape[1]

    def body(u_ref, i_ref, w_ref, b_ref, su_ref, si_ref):
        w = w_ref[...]
        su_ref[...] = jax.lax.dot_general(
            w[0:1, 0:EMB], u_ref[...], (((1,), (0,)), ((), ())),
            preferred_element_type=jnp.float32).reshape(-1)

        @pl.when(pl.program_id(0) == 0)
        def _():
            si_ref[...] = jax.lax.dot_general(
                w[0:1, EMB:2 * EMB], i_ref[...], (((1,), (0,)), ((), ())),
                preferred_element_type=jnp.float32).reshape(-1) + b_ref[...]

    return pl.pallas_call(
        body,
        grid=(pl.cdiv(nu, TC_BLK),),
        in_specs=[
            pl.BlockSpec((EMB, TC_BLK), lambda i: (0, i)),
            pl.BlockSpec((EMB, ni), lambda i: (0, 0)),
            pl.BlockSpec((1, 2 * EMB), lambda i: (0, 0)),
            pl.BlockSpec((1,), lambda i: (0,)),
        ],
        out_specs=[
            pl.BlockSpec((TC_BLK,), lambda i: (i,)),
            pl.BlockSpec((ni,), lambda i: (0,)),
        ],
        out_shape=[
            jax.ShapeDtypeStruct((nu,), jnp.float32),
            jax.ShapeDtypeStruct((ni,), jnp.float32),
        ],
    )(user_t, item_t, w_row, bias)


def _sc_body(uid_hbm, iid_hbm, su_hbm, si_hbm, out_hbm,
             idx_u, idx_i, g_u, g_i, out_v, sem_u, sem_i):
    wid = lax.axis_index("s") * NC + lax.axis_index("c")
    base = wid * BPW

    ku = pltpu.async_copy(uid_hbm.at[pl.ds(base, BPW)], idx_u, sem_u)
    ki = pltpu.async_copy(iid_hbm.at[pl.ds(base, BPW)], idx_i, sem_i)
    ku.wait()
    cu = pltpu.async_copy(su_hbm.at[idx_u], g_u, sem_u)
    ki.wait()
    ci = pltpu.async_copy(si_hbm.at[idx_i], g_i, sem_i)
    cu.wait()
    ci.wait()

    def group(g, carry):
        r0 = g * L
        out_v[pl.ds(r0, L)] = g_u[pl.ds(r0, L)] + g_i[pl.ds(r0, L)]
        return carry

    lax.fori_loop(0, BPW // L, group, 0)
    pltpu.sync_copy(out_v, out_hbm.at[pl.ds(base, BPW)])


@jax.jit
def _run(user_ids, item_ids, user_table, item_table, fc_w, fc_b):
    su, si = _col_dots(user_table.T, item_table.T, fc_w, fc_b)

    mesh = plsc.VectorSubcoreMesh(core_axis_name="c", subcore_axis_name="s")
    k = functools.partial(
        pl.kernel,
        mesh=mesh,
        compiler_params=pltpu.CompilerParams(
            needs_layout_passes=False, use_tc_tiling_on_sc=False),
        out_type=jax.ShapeDtypeStruct((BATCH,), jnp.float32),
        scratch_types=[
            pltpu.VMEM((BPW,), jnp.int32),
            pltpu.VMEM((BPW,), jnp.int32),
            pltpu.VMEM((BPW,), jnp.float32),
            pltpu.VMEM((BPW,), jnp.float32),
            pltpu.VMEM((BPW,), jnp.float32),
            pltpu.SemaphoreType.DMA,
            pltpu.SemaphoreType.DMA,
        ],
    )(_sc_body)
    return k(user_ids, item_ids, su, si)


def kernel(user_ids, item_ids, user_table, item_table, fc_w, fc_b):
    return _run(user_ids.astype(jnp.int32), item_ids.astype(jnp.int32),
                user_table, item_table, fc_w, fc_b)

# --- scband reference (transcript-rebuilt; emitter-appended) ---
"""Pipeline reference for scband-rec-model-32968168964540 (READ-ONLY COPY).

The authoritative reference and input builder live on the scoring server;
editing this copy changes nothing except your own understanding.
"""

import jax, jax.numpy as jnp
import numpy as np

NUM_USERS = 1000000
NUM_ITEMS = 100000
EMB_DIM = 32
BATCH = 16384

def setup_inputs(seed: int = 0) -> dict:
    key = jax.random.key(seed)
    k1, k2, k3, k4, k5, k6 = jax.random.split(key, 6)
    user_ids = jax.random.randint(k1, (BATCH,), 0, NUM_USERS, dtype=jnp.int64 if jax.config.jax_enable_x64 else jnp.int32)
    item_ids = jax.random.randint(k2, (BATCH,), 0, NUM_ITEMS, dtype=jnp.int64 if jax.config.jax_enable_x64 else jnp.int32)
    user_table = jax.random.normal(k3, (NUM_USERS, EMB_DIM), dtype=jnp.float32)
    item_table = jax.random.normal(k4, (NUM_ITEMS, EMB_DIM), dtype=jnp.float32)
    fc_w = jax.random.normal(k5, (1, EMB_DIM * 2), dtype=jnp.float32) * (1.0 / np.sqrt(EMB_DIM * 2))
    fc_b = jax.random.normal(k6, (1,), dtype=jnp.float32) * 0.01
    return {"user_ids": user_ids, "item_ids": item_ids, "user_table": user_table, "item_table": item_table, "fc_w": fc_w, "fc_b": fc_b}

def reference(user_ids, item_ids, user_table, item_table, fc_w, fc_b):
    user_vecs = jnp.take(user_table, user_ids, axis=0)
    item_vecs = jnp.take(item_table, item_ids, axis=0)
    x = jnp.concatenate([user_vecs, item_vecs], axis=-1)
    out = x @ fc_w.T + fc_b
    return jnp.squeeze(out)

if __name__ == "__main__":
    import jax
    _d = setup_inputs()
    print(jax.jit(kernel)(*tuple(_d.values())))

</pallas_src>

<mosaic_0001>
#map = affine_map<(d0, d1) -> (0)>
module attributes {stable_mosaic.version = 14 : i64} {
  func.func @_sc_body(%arg0: i32, %arg1: i32, %arg2: memref<16384xi32, #tpu.memory_space<hbm>>, %arg3: memref<16384xi32, #tpu.memory_space<hbm>>, %arg4: memref<1000000xf32, #tpu.memory_space<hbm>>, %arg5: memref<100000xf32, #tpu.memory_space<hbm>>, %arg6: memref<16384xf32, #tpu.memory_space<hbm>>, %arg7: memref<512xi32, #tpu.memory_space<vmem>>, %arg8: memref<512xi32, #tpu.memory_space<vmem>>, %arg9: memref<512xf32, #tpu.memory_space<vmem>>, %arg10: memref<512xf32, #tpu.memory_space<vmem>>, %arg11: memref<512xf32, #tpu.memory_space<vmem>>, %arg12: memref<!tpu.dma_semaphore, #tpu.memory_space<semaphore_mem>>, %arg13: memref<!tpu.dma_semaphore, #tpu.memory_space<semaphore_mem>>) attributes {dimension_semantics = [#tpu.dimension_semantics<core_parallel>, #tpu.dimension_semantics<subcore_parallel>], iteration_bounds = array<i64: 2, 16>, scalar_prefetch = 0 : i64, scratch_operands = 7 : i64, tpu.core_type = #tpu.core_type<sc_vector_subcore>, window_params = [{transform_indices = #map}, {transform_indices = #map}, {transform_indices = #map}, {transform_indices = #map}, {transform_indices = #map}]} {
    %mul3A = arith.constant 2 : i32
    %mul3A_0 = arith.muli %arg1, %mul3A : i32
    %add3A = arith.addi %mul3A_0, %arg0 : i32
    %mul3A_1 = arith.constant 512 : i32
    %mul3A_2 = arith.muli %add3A, %mul3A_1 : i32
    %dma_start3A = tpu.memref_slice %arg2[%mul3A_2] : memref<16384xi32, #tpu.memory_space<hbm>> -> memref<512xi32, #tpu.memory_space<hbm>>
    %dma_start3A_3 = tpu.memref_slice %arg2[%mul3A_2] : memref<16384xi32, #tpu.memory_space<hbm>> -> memref<512xi32, #tpu.memory_space<hbm>>
    tpu.enqueue_dma source(%dma_start3A_3 : memref<512xi32, #tpu.memory_space<hbm>>) target(%arg7 : memref<512xi32, #tpu.memory_space<vmem>>) target_semaphore(%arg12 : memref<!tpu.dma_semaphore, #tpu.memory_space<semaphore_mem>>)
    %dma_start3A_4 = tpu.memref_slice %arg3[%mul3A_2] : memref<16384xi32, #tpu.memory_space<hbm>> -> memref<512xi32, #tpu.memory_space<hbm>>
    %dma_start3A_5 = tpu.memref_slice %arg3[%mul3A_2] : memref<16384xi32, #tpu.memory_space<hbm>> -> memref<512xi32, #tpu.memory_space<hbm>>
    tpu.enqueue_dma source(%dma_start3A_5 : memref<512xi32, #tpu.memory_space<hbm>>) target(%arg8 : memref<512xi32, #tpu.memory_space<vmem>>) target_semaphore(%arg13 : memref<!tpu.dma_semaphore, #tpu.memory_space<semaphore_mem>>)
    %dma_wait3A = tpu.memref_slice %arg2[%mul3A_2] : memref<16384xi32, #tpu.memory_space<hbm>> -> memref<512xi32, #tpu.memory_space<hbm>>
    %dma_wait3A_6 = tpu.memref_slice %arg2[%mul3A_2] : memref<16384xi32, #tpu.memory_space<hbm>> -> memref<512xi32, #tpu.memory_space<hbm>>
    tpu.wait_dma2 semaphore(%arg12 : memref<!tpu.dma_semaphore, #tpu.memory_space<semaphore_mem>>) src(%dma_wait3A_6 : memref<512xi32, #tpu.memory_space<hbm>>) dst(%arg7 : memref<512xi32, #tpu.memory_space<vmem>>)
    %dma_start3A_7 = arith.constant 0 : i32
    %dma_start3A_8 = tpu.memref_slice %arg4[%dma_start3A_7] : memref<1000000xf32, #tpu.memory_space<hbm>> -> memref<1000000xf32, #tpu.memory_space<hbm>>
    tpu.enqueue_indirect_dma source(%dma_start3A_8 : memref<1000000xf32, #tpu.memory_space<hbm>>) target(%arg9 : memref<512xf32, #tpu.memory_space<vmem>>) offsets(%arg7 : memref<512xi32, #tpu.memory_space<vmem>>) semaphore(%arg12 : memref<!tpu.dma_semaphore, #tpu.memory_space<semaphore_mem>>)
    %dma_wait3A_9 = tpu.memref_slice %arg3[%mul3A_2] : memref<16384xi32, #tpu.memory_space<hbm>> -> memref<512xi32, #tpu.memory_space<hbm>>
    %dma_wait3A_10 = tpu.memref_slice %arg3[%mul3A_2] : memref<16384xi32, #tpu.memory_space<hbm>> -> memref<512xi32, #tpu.memory_space<hbm>>
    tpu.wait_dma2 semaphore(%arg13 : memref<!tpu.dma_semaphore, #tpu.memory_space<semaphore_mem>>) src(%dma_wait3A_10 : memref<512xi32, #tpu.memory_space<hbm>>) dst(%arg8 : memref<512xi32, #tpu.memory_space<vmem>>)
    %dma_start3A_11 = arith.constant 0 : i32
    %dma_start3A_12 = tpu.memref_slice %arg5[%dma_start3A_11] : memref<100000xf32, #tpu.memory_space<hbm>> -> memref<100000xf32, #tpu.memory_space<hbm>>
    tpu.enqueue_indirect_dma source(%dma_start3A_12 : memref<100000xf32, #tpu.memory_space<hbm>>) target(%arg10 : memref<512xf32, #tpu.memory_space<vmem>>) offsets(%arg8 : memref<512xi32, #tpu.memory_space<vmem>>) semaphore(%arg13 : memref<!tpu.dma_semaphore, #tpu.memory_space<semaphore_mem>>)
    %dma_wait3A_13 = arith.constant 0 : i32
    %dma_wait3A_14 = tpu.memref_slice %arg4[%dma_wait3A_13] : memref<1000000xf32, #tpu.memory_space<hbm>> -> memref<1000000xf32, #tpu.memory_space<hbm>>
    tpu.wait_indirect_dma semaphore(%arg12 : memref<!tpu.dma_semaphore, #tpu.memory_space<semaphore_mem>>) src(%dma_wait3A_14 : memref<1000000xf32, #tpu.memory_space<hbm>>) dst(%arg9 : memref<512xf32, #tpu.memory_space<vmem>>)
    %dma_wait3A_15 = arith.constant 0 : i32
    %dma_wait3A_16 = tpu.memref_slice %arg5[%dma_wait3A_15] : memref<100000xf32, #tpu.memory_space<hbm>> -> memref<100000xf32, #tpu.memory_space<hbm>>
    tpu.wait_indirect_dma semaphore(%arg13 : memref<!tpu.dma_semaphore, #tpu.memory_space<semaphore_mem>>) src(%dma_wait3A_16 : memref<100000xf32, #tpu.memory_space<hbm>>) dst(%arg10 : memref<512xf32, #tpu.memory_space<vmem>>)
    %scan3A = arith.constant 0 : i32
    %scan3A_17 = arith.constant 0 : i32
    %scan3A_18 = arith.constant 32 : i32
    %scan3A_19 = arith.addi %scan3A_17, %scan3A_18 : i32
    %scan3A_20 = arith.constant 1 : i32
    scf.for %scan3A_22 = %scan3A_17 to %scan3A_19 step %scan3A_20  : i32 {
      %mul3A_23 = arith.constant 16 : i32
      %mul3A_24 = arith.muli %scan3A_22, %mul3A_23 : i32
      %get3A = arith.index_cast %mul3A_24 : i32 to index
      %get3A_25 = tpu.vector_load %arg9[%get3A] {strides = array<i32>} : memref<512xf32, #tpu.memory_space<vmem>>, vector<16xf32>,
      %get3A_26 = arith.index_cast %mul3A_24 : i32 to index
      %get3A_27 = tpu.vector_load %arg10[%get3A_26] {strides = array<i32>} : memref<512xf32, #tpu.memory_space<vmem>>, vector<16xf32>,
      %add3A_28 = arith.addf %get3A_25, %get3A_27 : vector<16xf32>
      %swap3A = arith.index_cast %mul3A_24 : i32 to index
      %swap3A_29 = tpu.vector_load %arg11[%swap3A] {strides = array<i32>} : memref<512xf32, #tpu.memory_space<vmem>>, vector<16xf32>,
      tpu.vector_store %arg11[%swap3A], %add3A_28 {strides = array<i32>} : memref<512xf32, #tpu.memory_space<vmem>>, vector<16xf32>,
    }
    %scan3A_21 = arith.constant 32 : i32
    "tpu.region"() ({
      %run_scoped3A = tpu.sem_alloc : memref<!tpu.dma_semaphore, #tpu.memory_space<semaphore_mem>>
      %dma_start3A_22 = tpu.memref_slice %arg6[%mul3A_2] : memref<16384xf32, #tpu.memory_space<hbm>> -> memref<512xf32, #tpu.memory_space<hbm>>
      %dma_start3A_23 = tpu.memref_slice %arg6[%mul3A_2] : memref<16384xf32, #tpu.memory_space<hbm>> -> memref<512xf32, #tpu.memory_space<hbm>>
      tpu.enqueue_dma source(%arg11 : memref<512xf32, #tpu.memory_space<vmem>>) target(%dma_start3A_23 : memref<512xf32, #tpu.memory_space<hbm>>) target_semaphore(%run_scoped3A : memref<!tpu.dma_semaphore, #tpu.memory_space<semaphore_mem>>)
      %dma_wait3A_24 = tpu.memref_slice %arg6[%mul3A_2] : memref<16384xf32, #tpu.memory_space<hbm>> -> memref<512xf32, #tpu.memory_space<hbm>>
      %dma_wait3A_25 = tpu.memref_slice %arg6[%mul3A_2] : memref<16384xf32, #tpu.memory_space<hbm>> -> memref<512xf32, #tpu.memory_space<hbm>>
      tpu.wait_dma2 semaphore(%run_scoped3A : memref<!tpu.dma_semaphore, #tpu.memory_space<semaphore_mem>>) src(%arg11 : memref<512xf32, #tpu.memory_space<vmem>>) dst(%dma_wait3A_25 : memref<512xf32, #tpu.memory_space<hbm>>)
      tpu.yield
    }) : () -> ()
    return
  }
}

module attributes {stable_mosaic.version = 14 : i64} {
  func.func @body(%arg0: i32, %arg1: memref<32x65536xf32, #tpu.memory_space<vmem>>, %arg2: memref<32x100000xf32, #tpu.memory_space<vmem>>, %arg3: memref<1x64xf32, #tpu.memory_space<vmem>>, %arg4: memref<1xf32, #tpu.memory_space<vmem>>, %arg5: memref<65536xf32, #tpu.memory_space<vmem>>, %arg6: memref<100000xf32, #tpu.memory_space<vmem>>) attributes {dimension_semantics = [#tpu.dimension_semantics<arbitrary>], iteration_bounds = array<i64: 16>, scalar_prefetch = 0 : i64, scratch_operands = 0 : i64, tpu.core_type = #tpu.core_type<tc>, window_params = [{transform_indices = @transform_0, window_bounds = array<i64: 32, 65536>}, {pipeline_mode = #tpu.pipeline_mode<synchronous>, transform_indices = @transform_1, window_bounds = array<i64: 32, 100000>}, {pipeline_mode = #tpu.pipeline_mode<synchronous>, transform_indices = @transform_2, window_bounds = array<i64: 1, 64>}, {pipeline_mode = #tpu.pipeline_mode<synchronous>, transform_indices = @transform_3, window_bounds = array<i64: 1>}, {transform_indices = @transform_4, window_bounds = array<i64: 65536>}, {pipeline_mode = #tpu.pipeline_mode<synchronous>, transform_indices = @transform_5, window_bounds = array<i64: 100000>}]} {
    %get3A = arith.constant 0 : index
    %get3A_0 = arith.constant 0 : index
    %get3A_1 = vector.load %arg3[%get3A, %get3A_0] : memref<1x64xf32, #tpu.memory_space<vmem>>, vector<1x64xf32>
    %slice3A = vector.extract_strided_slice %get3A_1 {offsets = [0, 0], sizes = [1, 32], strides = [1, 1]} : vector<1x64xf32> to vector<1x32xf32>
    %get3A_2 = arith.constant 0 : index
    %get3A_3 = arith.constant 0 : index
    %get3A_4 = vector.load %arg1[%get3A_2, %get3A_3] : memref<32x65536xf32, #tpu.memory_space<vmem>>, vector<32x65536xf32>
    %dot_general3A = arith.constant dense<0.000000e+00> : vector<1x65536xf32>
    %dot_general3A_5 = tpu.matmul %slice3A, %get3A_4, %dot_general3A {dimension_numbers = #tpu.dot_dimension_numbers<[1], [0], [0], [1], [0, 0, 1, 1], [], []>, transpose_lhs_hint = false} : vector<1x32xf32>, vector<32x65536xf32>, vector<1x65536xf32> -> vector<1x65536xf32>
    %reshape3A = vector.shape_cast %dot_general3A_5 : vector<1x65536xf32> to vector<65536xf32>
    %swap3A = arith.constant 0 : index
    %swap3A_6 = vector.load %arg5[%swap3A] : memref<65536xf32, #tpu.memory_space<vmem>>, vector<65536xf32>
    tpu.vector_store %arg5[%swap3A], %reshape3A {strides = array<i32>} : memref<65536xf32, #tpu.memory_space<vmem>>, vector<65536xf32>,
    %eq3A = arith.constant 0 : i32
    %eq3A_7 = arith.cmpi eq, %arg0, %eq3A : i32
    %convert_element_type3A = arith.extui %eq3A_7 : i1 to i32
    %cond3A = arith.constant 0 : i32
    %cond3A_8 = arith.cmpi ne, %convert_element_type3A, %cond3A : i32
    scf.if %cond3A_8 {
      %slice3A_9 = vector.extract_strided_slice %get3A_1 {offsets = [0, 32], sizes = [1, 32], strides = [1, 1]} : vector<1x64xf32> to vector<1x32xf32>
      %get3A_10 = arith.constant 0 : index
      %get3A_11 = arith.constant 0 : index
      %get3A_12 = vector.load %arg2[%get3A_10, %get3A_11] : memref<32x100000xf32, #tpu.memory_space<vmem>>, vector<32x100000xf32>
      %dot_general3A_13 = arith.constant dense<0.000000e+00> : vector<1x100000xf32>
      %dot_general3A_14 = tpu.matmul %slice3A_9, %get3A_12, %dot_general3A_13 {dimension_numbers = #tpu.dot_dimension_numbers<[1], [0], [0], [1], [0, 0, 1, 1], [], []>, transpose_lhs_hint = false} : vector<1x32xf32>, vector<32x100000xf32>, vector<1x100000xf32> -> vector<1x100000xf32>
      %reshape3A_15 = vector.shape_cast %dot_general3A_14 : vector<1x100000xf32> to vector<100000xf32>
      %get3A_16 = arith.constant 0 : index
      %get3A_17 = vector.load %arg4[%get3A_16] : memref<1xf32, #tpu.memory_space<vmem>>, vector<1xf32>
      %add3A = vector.broadcast %get3A_17 : vector<1xf32> to vector<100000xf32>
      %add3A_18 = arith.addf %reshape3A_15, %add3A : vector<100000xf32>
      %swap3A_19 = arith.constant 0 : index
      %swap3A_20 = vector.load %arg6[%swap3A_19] : memref<100000xf32, #tpu.memory_space<vmem>>, vector<100000xf32>
      tpu.vector_store %arg6[%swap3A_19], %add3A_18 {strides = array<i32>} : memref<100000xf32, #tpu.memory_space<vmem>>, vector<100000xf32>,
    } else {
    }
    return
  }
  func.func @transform_0(%arg0: i32) -> (i32, i32) {
    %c0_i32 = arith.constant 0 : i32
    %c0_i32_0 = arith.constant 0 : i32
    return %c0_i32, %arg0 : i32, i32
  }
  func.func @transform_1(%arg0: i32) -> (i32, i32) {
    %c0_i32 = arith.constant 0 : i32
    %c0_i32_0 = arith.constant 0 : i32
    %c0_i32_1 = arith.constant 0 : i32
    return %c0_i32, %c0_i32_0 : i32, i32
  }
  func.func @transform_2(%arg0: i32) -> (i32, i32) {
    %c0_i32 = arith.constant 0 : i32
    %c0_i32_0 = arith.constant 0 : i32
    %c0_i32_1 = arith.constant 0 : i32
    return %c0_i32, %c0_i32_0 : i32, i32
  }
  func.func @transform_3(%arg0: i32) -> i32 {
    %c0_i32 = arith.constant 0 : i32
    %c0_i32_0 = arith.constant 0 : i32
    return %c0_i32 : i32
  }
  func.func @transform_4(%arg0: i32) -> i32 {
    %c0_i32 = arith.constant 0 : i32
    return %arg0 : i32
  }
  func.func @transform_5(%arg0: i32) -> i32 {
    %c0_i32 = arith.constant 0 : i32
    %c0_i32_0 = arith.constant 0 : i32
    return %c0_i32 : i32
  }
}

</mosaic_0001>

<sc_bundles>
// kernel: _run.4.cloned.1.call-start
scs
__scs_entry_jumppad:
0x0: {  	(pc) =	sbr.rel $0x88, $3  }
0x1: {  	(tag) =	ssettag $0x0;
	lr =	simm.s32 $0x1  }
0x2: {  	[smem:$0x3F9B] =	sst lr;
	_ =	strace $0xD0000000  }
0x3: {  	_ = 	snop  }
0x4: {  	_ = 	snop  }
0x5: {  	_ = 	snop  }
0x6: {  	_ = 	snop  }
0x7: {  	_ = 	snop  }
__scs_overlays_trampoline_lowered:
0x8: {  	[smem:$0x3FAA] =	sst s0  }
0x9: {  	[smem:$0x3FAB] =	sst s1  }
0xa: {  	[smem:$0x3FAC] =	sst s2  }
0xb: {  	[smem:$0x3FAD] =	sst s3  }
0xc: {  	[smem:$0x3FAE] =	sst s4  }
0xd: {  	[smem:$0x3FAF] =	sst s5  }
0xe: {  	[smem:$0x3FB0] =	sst s6  }
0xf: {  	[smem:$0x3FB1] =	sst s7  }
0x10: {  	[smem:$0x3FB2] =	sst s8  }
0x11: {  	[smem:$0x3FB3] =	sst s9;
	s0 =	simm.s32 @!p0 $0x0  }
0x12: {  	s1 =	sld [smem:$0x3F99];
	s0 =	simm.s32 @p0 $0x1  }
0x13: {  	[smem:$0x3FB4] =	sst s0;
	s0 =	simm.s32 @!p1 $0x0  }
0x14: {  	s2 =	sld [smem:$0x3F98];
	s0 =	simm.s32 @p1 $0x1  }
0x15: {  	[smem:$0x3FB5] =	sst s0;
	s0 =	simm.s32 @!p2 $0x0  }
0x16: {  	s3 =	sld [smem:$0x3FDB];
	s0 =	simm.s32 @p2 $0x1  }
0x17: {  	s4 =	simm.s32 $0x1BF5;
	[smem:$0x3FB7] =	sst s0  }
0x18: {  	s0 =	sld [smem:$0x3F9A];
	_ =	swait.ge [sflag:s4], $0x0  }
0x19: {  	s7 =	sld [smem:$0x3F9B]  }
0x1a: {  	s8 =	sadd.s32 $0xFFFFE003, lr  }
0x1b: {  	s9 =	sadd.s32 $0xFFFFFEF7, lr;
	s5 =	simm.s32 $0xFFFFFFFF;
	p2 =	slt.u32 s8, $0xFFFFF086  }
0x1c: {  	p1 =	slt.u32 s9, $0xF7A;
	s5 =	simm.s32 @!p2 $0x0  }
0x1d: {  	s5 =	simm.s32 @p1 $0x1;
	p0 =	seq.s32 s7, s2  }
0x1e: {  	s7 =	smul.u32 @!p0 $0xF7A, s2;
	p2 =	seq.s32 @!p0 s5, $0x0  }
0x1f: {  	s9 =	smul.u32 $0xF7A, s1;
	s8 =	simm.s32 @!p0 $0x1BF5;
	p2 =	por !p2, p0  }
0x20: {  	[sflag:s8] =	ssyncset.s32 @!p0 $0xFFFFF086;
	s6 =	sadd.s32 @!p0 s3, s7;
	s7 =	simm.s32 @!p0 $0x108  }
0x21: {  	s3 =	sadd.s32 s3, s9;
	s6 =	sadd.s32 @!p0 $0x88, s6;
	s7 =	simm.s32 @p2 $0x1082  }
0x22: {  	[simem:s7], [sflag:s8] =	dma.local @!p0 [hbm:s6], $0xF7A  }
0x23: {  	s9 =	sor.u32 $0xD0000000, s2;
	s6 =	simm.s32 $0x108;
	_ =	swait.ge @!p0 [sflag:s8], $0x0  }
0x24: {  	s3 =	sadd.s32 $0x88, s3;
	s6 =	simm.s32 @!p1 $0x1082;
	[sflag:s4] =	ssyncset.s32 $0xFFFFF086  }
0x25: {  	[simem:s6], [sflag:s4] =	dma.local [hbm:s3], $0xF7A  }
0x26: {  	[smem:$0x3F9B] =	sst s1;
	(tag) =	ssettag s2;
	_ =	strace s9  }
0x27: {  	s1 =	sld [smem:$0x3FAB]  }
0x28: {  	s2 =	sld [smem:$0x3FAC]  }
0x29: {  	s4 =	sld [smem:$0x3FAE]  }
0x2a: {  	p0 =	seq.s32 s5, $0x0;
	s5 =	sld [smem:$0x3FAF]  }
0x2b: {  	s6 =	sld [smem:$0x3FB0]  }
0x2c: {  	s7 =	sld [smem:$0x3FB1]  }
0x2d: {  	s3 =	simm.s32 $0x108;
	s8 =	sld [smem:$0x3FB2]  }
0x2e: {  	s3 =	simm.s32 @!p0 $0x1082;
	s9 =	sld [smem:$0x3FB3]  }
0x2f: {  	lr =	sadd.s32 s0, s3;
	s0 =	sld [smem:$0x3FAA]  }
0x30: {  	s3 =	sld [smem:$0x3FAD]  }
0x31: {  	[smem:$0x3FB6] =	sst s10  }
0x32: {  	s10 =	sld [smem:$0x3FB4];
	_ =	sdelay $0x3  }
0x33: {  	p0 =	seq.s32 s10, $0x1;
	s10 =	sld [smem:$0x3FB6];
	_ =	sdelay $0x3  }
0x34: {  	[smem:$0x3FB6] =	sst s10  }
0x35: {  	s10 =	sld [smem:$0x3FB5];
	_ =	sdelay $0x3  }
0x36: {  	p1 =	seq.s32 s10, $0x1;
	s10 =	sld [smem:$0x3FB6];
	_ =	sdelay $0x3  }
0x37: {  	[smem:$0x3FB6] =	sst s10  }
0x38: {  	s10 =	sld [smem:$0x3FB7]  }
0x39: {  	_ = 	snop;
	(pc) =	sbr.ind lr, $3  }
0x3a: {  	_ = 	snop  }
0x3b: {  	_ = 	snop  }
0x3c: {  	p2 =	seq.s32 s10, $0x1;
	s10 =	sld [smem:$0x3FB6]  }
0x3d: {  	_ =	shalt  }
0x3e: {  	_ =	shalt  }
0x3f: {  	_ =	shalt  }
0x40: {  	_ =	shalt  }
0x41: {  	_ =	shalt  }
0x42: {  	_ =	shalt  }
0x43: {  	_ =	shalt  }
0x44: {  	_ =	shalt  }
0x45: {  	_ =	shalt  }
0x46: {  	_ =	shalt  }
0x47: {  	_ =	shalt  }
0x48: {  	_ =	shalt  }
0x49: {  	_ =	shalt  }
0x4a: {  	_ =	shalt  }
0x4b: {  	_ =	shalt  }
0x4c: {  	_ =	shalt  }
0x4d: {  	_ =	shalt  }
0x4e: {  	_ =	shalt  }
0x4f: {  	_ =	shalt  }
0x50: {  	_ =	shalt  }
0x51: {  	_ =	shalt  }
0x52: {  	_ =	shalt  }
0x53: {  	_ =	shalt  }
0x54: {  	_ =	shalt  }
0x55: {  	_ =	shalt  }
0x56: {  	_ =	shalt  }
0x57: {  	_ =	shalt  }
0x58: {  	_ =	shalt  }
0x59: {  	_ =	shalt  }
0x5a: {  	_ =	shalt  }
0x5b: {  	_ =	shalt  }
0x5c: {  	_ =	shalt  }
0x5d: {  	_ =	shalt  }
0x5e: {  	_ =	shalt  }
0x5f: {  	_ =	shalt  }
0x60: {  	_ =	shalt  }
0x61: {  	_ =	shalt  }
0x62: {  	_ =	shalt  }
0x63: {  	_ =	shalt  }
0x64: {  	_ =	shalt  }
0x65: {  	_ =	shalt  }
0x66: {  	_ =	shalt  }
0x67: {  	_ =	shalt  }
0x68: {  	_ =	shalt  }
0x69: {  	_ =	shalt  }
0x6a: {  	_ =	shalt  }
0x6b: {  	_ =	shalt  }
0x6c: {  	_ =	shalt  }
0x6d: {  	_ =	shalt  }
0x6e: {  	_ =	shalt  }
0x6f: {  	_ =	shalt  }
0x70: {  	_ =	shalt  }
0x71: {  	_ =	shalt  }
0x72: {  	_ =	shalt  }
0x73: {  	_ =	shalt  }
0x74: {  	_ =	shalt  }
0x75: {  	_ =	shalt  }
0x76: {  	_ =	shalt  }
0x77: {  	_ =	shalt  }
0x78: {  	_ =	shalt  }
0x79: {  	_ =	shalt  }
0x7a: {  	_ =	shalt  }
0x7b: {  	_ =	shalt  }
0x7c: {  	_ =	shalt  }
0x7d: {  	_ =	shalt  }
0x7e: {  	_ =	shalt  }
0x7f: {  	_ =	shalt  }
0x80: {  	_ =	shalt  }
0x81: {  	_ =	shalt  }
0x82: {  	_ =	shalt  }
0x83: {  	_ =	shalt  }
0x84: {  	_ =	shalt  }
0x85: {  	_ =	shalt  }
0x86: {  	_ =	shalt  }
0x87: {  	_ =	shalt  }
.Lfunc_end0:
.L_simem_size_0:
called_computation_lowered:
.L_overlay_start_0:
0x88: {  	s2 =	sld [smem:$0x3FD9]  }
0x89: {  	s3 =	sld [smem:$0x3FFE];
	_ =	sdelay $0x1  }
0x8a: {  	s1 =	srdreg.scid  }
0x8b: {  	s0 =	sand.u32 $0x1, s1  }
0x8c: {  	s17 =	sshll.u32 s0, $0xA;
	s2 =	sadd.s32 s3, s2  }
0x8d: {  	s2 =	sadd.s32 s2, s17  }
0x8e: {  	[smem:$0x3FC2] =	sst s2  }
0x8f: {  	_ = 	snop  }
0x90: {  	s2 =	sld [smem:$0x3FC9]  }
0x91: {  	s18 =	sld [smem:$0x3FC8]  }
0x92: {  	s4 =	sld [smem:$0x3FD0];
	(tm) =	ssettm $0x1  }
0x93: {  	s5 =	sld [smem:$0x3FFB];
	_ =	sdelay $0x3  }
0x94: {  	_ =	strace s5  }
0x95: {  	s5 =	sld [smem:$0x3FFC];
	_ =	sdelay $0x3  }
0x96: {  	_ =	strace s5  }
0x97: {  	s5 =	sld [smem:$0x3FFD];
	_ =	sdelay $0x3  }
0x98: {  	_ =	strace s5  }
0x99: {  	_ =	strace $0x8FFFFFFF  }
0x9a: {  	s19 =	sld [smem:$0x3FDB];
	_ =	sdelay $0x1  }
0x9b: {  	s6 =	simm.s32 $_scs_section_size  }
0x9c: {  	s7 =	simm.s32 $_size__tile_overlayer_lowered;
	s8 =	simm.s32 $_tile_overlayer_lowered  }
0x9d: {  	s22 =	simm.s32 $0x1BFF;
	s21 =	sshll.u32 s8, $0x1;
	s5 =	sadd.s32 s6, s19  }
0x9e: {  	s9 =	simm.s32 $0x0;
	s20 =	sshll.u32 s7, $0x1;
	s7 =	sadd.s32 s21, s5  }
0x9f: {  	[timem:s9], [sflag:s22] =	dma.local [hbm:s7], s20  }
0xa0: {  	_ =	swait.ge [sflag:s22], s20  }
0xa1: {  	s6 =	ssub.s32 $0x0, s20;
	[sflag:s22] =	ssyncset.done $0x0  }
0xa2: {  	[sflag:s22] =	ssyncadd.s32 s6;
	_ =	sdelay $0x1  }
0xa3: {  	s23 =	simm.s32 $0x1B8B  }
0xa4: {  	_ =	swait.ge [sflag:s23], $0x1  }
0xa5: {  	[sflag:s23] =	ssyncset.done $0x0  }
0xa6: {  	s25 =	simm.s32 $0x1B8E;
	s24 =	sld [smem:$0x3FFE];
	[sflag:s23] =	ssyncadd.s32 $0xFFFFFFFF  }
0xa7: {  	s26 =	simm.s32 $execute0_lowered;
	[smem:$0x3FD2] =	sst s25  }
0xa8: {  	s7 =	sshll.u32 s26, $0x1;
	_ =	strace $0x80000046;
	[dreg:$0x1] =	wrdreg $0xFFFFFFFF  }
0xa9: {  	s28 =	simm.s32 $_size_execute0_lowered;
	s5 =	sadd.s32 s5, s7;
	[dreg:$0x0] =	wrdreg $0x0  }
0xaa: {  	s7 =	sshll.u32 s28, $0x1;
	[dreg:$0x2] =	wrdreg s5  }
0xab: {  	[dreg:$0x3] =	wrdreg s7  }
0xac: {  	[dreg:$0x4] =	wrdreg $0xC0  }
0xad: {  	_ =	task [dreg:s9], $0x5FFFF  }
0xae: {  	[dreg:$0x1] =	wrdreg $0xFFFFFFFF  }
0xaf: {  	[dreg:$0x0] =	wrdreg $0x60  }
0xb0: {  	[dreg:$0x2] =	wrdreg s2  }
0xb1: {  	[dreg:$0x3] =	wrdreg s18  }
0xb2: {  	[dreg:$0x4] =	wrdreg s24  }
0xb3: {  	[dreg:$0x5] =	wrdreg s4  }
0xb4: {  	[dreg:$0x6] =	wrdreg $0x9  }
0xb5: {  	_ =	task.clear_ibuf [dreg:s9], $0x7FFFF;
	_ =	strace $0x90000046  }
0xb6: {  	s29 =	simm.s32 $0x9;
	_ =	strace $0x80000048  }
0xb7: {  	_ =	swait.ge [sflag:s29], $0x1  }
0xb8: {  	[sflag:s29] =	ssyncadd.s32 $0xFFFFFFFF  }
0xb9: {  	_ =	strace $0x90000048  }
0xba: {  	_ =	sfence  }
0xbb: {  	s30 =	sld [smem:$0x0];
	_ =	sdelay $0x2  }
0xbc: {  	s31 =	sshll.u32 s1, $0xD;
	s1 =	sshrl.u32 s1, $0x2  }
0xbd: {  	s3 =	sand.u32 $0x4000, s31;
	s1 =	sadd.s32 s1, s30  }
0xbe: {  	s0 =	sor.u32 s3, s0;
	s1 =	sshll.u32 s1, $0x11  }
0xbf: {  	s0 =	sor.u32 s1, s0  }
0xc0: {  	s0 =	sadd.s32 $0x8F2B, s0  }
0xc1: {  	[sflag:s0] =	ssyncadd.remote.s32 $0x1  }
0xc2: {  	_ =	sfence.sel $0xFFFF  }
0xc3: {  	[dreg:$0x0] =	wrdreg $0xFFFFFFFF;
	(pc) =	sbr.abs _section_cstart, $3  }
0xc4: {  	[dreg:$0x1] =	wrdreg $0xFFFFFFFF  }
0xc5: {  	_ =	task.clear_ibuf [dreg:s9], $0x2FFFF;
	_ =	strace $0x9FFFFFFF  }
0xc6: {  	(tm) =	ssettm $0x7FFFFFFF  }
0xc7: {  	_ =	shalt  }
tec
execute0_lowered:
.L_overlay_start_1:
0x0: {  	(tag) =	ssettag $0x1  }
0x1: {  	s5 =	rddreg [dreg:$0x0]  }
0x2: {  	s6 =	rddreg [dreg:$0x1]  }
0x3: {  	s4 =	rddreg [dreg:$0x2]  }
0x4: {  	s7 =	rddreg [dreg:$0x3]  }
0x5: {  	s0 =	rddreg [dreg:$0x4];
	s1 =	simm.s32 $0x0;
	s2 =	srdreg.scid  }
0x6: {  	s12 =	simm.s32 $0x2;
	s13 =	simm.s32 $0x600;
	s14 =	simm.s32 $0x800  }
0x7: {  	s15 =	simm.s32 $0x3;
	s16 =	simm.s32 $0x0;
	[smem:$0x7FF] =	sst s1  }
0x8: {  	s8 =	sand.u32 $0x1, s2;
	s3 =	sadd.s32 $0xE00, s4;
	s2 =	stileid.u32  }
0x9: {  	s4 =	sadd.s32 $0x1F800, s4;
	_ =	strace $0x80000047;
	s9 =	ssub.s32 $0x2, s8  }
0xa: {  	s11 =	sshll.u32 s2, $0x7;
	s8 =	sshll.u32 s8, $0x6;
	s10 =	sshrl.u32 s9, $0x1  }
0xb: {  	s8 =	sor.u32 s8, s11;
	s11 =	simm.s32 $0x400;
	s9 =	ssub.s32 s9, s10  }
0xc: {  	s5 =	sadd.s32 s5, s8;
	s6 =	sadd.s32 s6, s8;
	s7 =	sadd.s32 s7, s8  }
0xd: {  	s10 =	simm.s32 $0x1;
	s8 =	smax.u32 s9, $0x1;
	s9 =	simm.s32 $0x200  }
.LBB2_1:
0xe: {  	[tilespmem:s1], [sflag:$0x1] =	stream.linear.gather [hbm4b:s5+s1], $0x200, $0x38;
	[tilespmem:$0xA00] =	vst v63  }
0xf: {  	_ = 	snop  }
0x10: {  	[tilespmem:s9], [sflag:$0x2] =	stream.linear.gather [hbm4b:s6+s1], $0x200, $0x38;
	[tilespmem:$0xA00] =	vst v63  }
0x11: {  	_ =	swait.ge [sflag:s10], $0x200  }
0x12: {  	[sflag:s10] =	ssyncset.done $0x0  }
0x13: {  	[sflag:s10] =	ssyncadd.s32 $0xFFFFFE00  }
0x14: {  	[tilespmem:s11], [sflag:$0x1] =	stream.indirect.gather [hbm4b:s3+s9], $0x1, s1, s9, $0xb8;
	[tilespmem:$0xA00] =	vst v63  }
0x15: {  	_ =	swait.ge [sflag:s12], $0x200  }
0x16: {  	[sflag:s12] =	ssyncset.done $0x0  }
0x17: {  	[sflag:s12] =	ssyncadd.s32 $0xFFFFFE00  }
0x18: {  	[tilespmem:s13], [sflag:$0x2] =	stream.indirect.gather [hbm4b:s4+s9], $0x1, s9, s9, $0xb8;
	[tilespmem:$0xA00] =	vst v63  }
0x19: {  	_ =	swait.ge [sflag:s10], $0x200  }
0x1a: {  	[sflag:s10] =	ssyncset.done $0x0  }
0x1b: {  	[sflag:s10] =	ssyncadd.s32 $0xFFFFFE00  }
0x1c: {  	_ =	swait.ge [sflag:s12], $0x200  }
0x1d: {  	[sflag:s12] =	ssyncset.done $0x0  }
0x1e: {  	s17 =	simm.s32 $0x0;
	[sflag:s12] =	ssyncadd.s32 $0xFFFFFE00  }
0x1f: {  	v0 =	vld [tilespmem:s17+$0x400]  }
0x20: {  	s18 =	simm.s32 $0x40;
	v1 =	vld [tilespmem:s17+$0x600]  }
.LBB2_2:
0x21: {  	_ = 	snop  }
0x22: {  	p0 =	sne.s32 s18, $0x7C0  }
.Ltmp0:
0x23: {  	_ = 	snop;
	(pc) =	sbr.rel @p0 .LBB2_2-.Ltmp0, $4  }
0x24: {  	_ = 	snop  }
0x25: {  	s19 =	sshra.s32 s18, $0x2;
	v2 =	vadd.f32 v1, v0  }
0x26: {  	v0 =	vld [tilespmem:s19+$0x400]  }
0x27: {  	s18 =	sadd.s32 $0x40, s18;
	v1 =	vld [tilespmem:s19+$0x600];
	[tilespmem:s17+$0x800] =	vst v2;
	s17 =	smov.u32 s19  }
0x28: {  	_ =	sdelay $0x3  }
0x29: {  	s16 =	sadd.s32 $0x1, s16;
	v0 =	vadd.f32 v1, v0  }
0x2a: {  	p0 =	sne.s32 s16, s8  }
.Ltmp1:
0x2b: {  	[tilespmem:s17+$0x800] =	vst v0;
	(pc) =	sbr.rel @p0 .LBB2_1-.Ltmp1, $4  }
0x2c: {  	[hbm4b:s7+s1] =	stream.linear.scatter [tilespmem:s14], [sflag:$0x3], $0x200, $0x38;
	[tilespmem:$0xA00] =	vst v63  }
0x2d: {  	_ =	swait.ge [sflag:s15], $0x200  }
0x2e: {  	[sflag:s15] =	ssyncset.done $0x0  }
0x2f: {  	[sflag:s15] =	ssyncadd.s32 $0xFFFFFE00  }
0x30: {  	_ =	sfence.sel $0x180000  }
0x31: {  	[bflag:$0x0] =	sbarrier.arrive $0xFFFF  }
0x32: {  	p0 =	sne.s32 s2, $0x0;
	_ =	strace $0x90000047  }
0x33: {  	s0 =	sadd.s32 @!p0 $0x100000, s0;
	[bflag:$0x2] =	sbarrier.arrive $0xFFFF  }
0x34: {  	[sflag:s0] =	ssyncadd.tile.s32 @!p0 $0x1;
	_ =	shalt  }
.Lfunc_end2:
_tile_overlayer_lowered:
.L_overlay_start_2:
0x35: {  	(tag) =	ssettag $0x2  }
0x36: {  	s0 =	rddreg [dreg:$0x0];
	s2 =	stileid.u32  }
0x37: {  	s1 =	rddreg [dreg:$0x1];
	p0 =	sne.s32 s2, $0x0  }
0x38: {  	s3 =	rddreg [dreg:$0x2];
	[bflag:$0x3] =	sbarrier.arrive $0xFFFF;
	s2 =	simm.s32 @!p0 $0x1C03  }
0x39: {  	[timem:s3], [sflag:s2] =	dma.local @!p0 [hbm:s0], s1  }
0x3a: {  	s0 =	simm.s32 @!p0 $0x3  }
0x3b: {  	_ =	swait.ge @!p0 [sflag:s0], s1  }
0x3c: {  	s1 =	ssub.s32 @!p0 $0x0, s1;
	[sflag:s0] =	ssyncset.done @!p0 $0x0  }
0x3d: {  	[sflag:s0] =	ssyncadd.s32 @!p0 s1  }
0x3e: {  	[bflag:$0x3] =	sbarrier.arrive $0xFFFF  }
0x3f: {  	_ =	shalt  }

</sc_bundles>
